<compile_context>
chip_gen: v7x
topology: tpu7x:2x2x1
jax: 0.10.2.dev20260603
libtpu: 0.0.44.dev20260713+nightly
codegen_flags: <defaults>
</compile_context>

<pallas_src>
import functools

import jax
import jax.numpy as jnp
from jax.experimental import pallas as pl
from jax.experimental.pallas import tpu as pltpu

N = 5000
NC = 80
NP = 5120
B = 128
NB = NP // B
MAX_DET = 300
OUT_PAD = 384
IOU_T = 0.45
SCORE_T = 0.01


def _score_kernel(cls_ref, box_ref, p_ref, neg_ref):
    x = cls_ref[:]
    m = jnp.max(x, axis=1, keepdims=True)
    lane = jax.lax.broadcasted_iota(jnp.int32, x.shape, 1)
    idx = jnp.min(jnp.where(x == m, lane, 128), axis=1, keepdims=True)
    masked = jnp.where(m > SCORE_T, m, -1.0)
    p_ref[:, 0:4] = box_ref[:]
    p_ref[:, 4:5] = masked
    p_ref[:, 5:6] = idx.astype(jnp.float32)
    p_ref[:, 6:7] = jnp.ones((NP, 1), jnp.float32)
    p_ref[:, 7:8] = jnp.zeros((NP, 1), jnp.float32)
    neg_ref[:] = -masked


def _iou_tile(x1q, y1q, x2q, y2q, aq, x1t, y1t, x2t, y2t, at):
    lt_x = jnp.maximum(x1q, x1t)
    lt_y = jnp.maximum(y1q, y1t)
    rb_x = jnp.minimum(x2q, x2t)
    rb_y = jnp.minimum(y2q, y2t)
    iw = jnp.maximum(rb_x - lt_x, 0.0)
    ih = jnp.maximum(rb_y - lt_y, 0.0)
    inter = iw * ih
    union = aq + at - inter
    return inter / jnp.maximum(union, 1e-8)


def _nms_kernel(x1r_ref, y1r_ref, x2r_ref, y2r_ref, sr_ref, ps_ref,
                out_ref,
                keptr_ref, ind_ref, rank_ref):
    sub_b = jax.lax.broadcasted_iota(jnp.int32, (B, B), 0)
    lane_b = jax.lax.broadcasted_iota(jnp.int32, (B, B), 1)

    keptr_ref[:] = jnp.zeros((NB, B), jnp.float32)

    def block_cond(carry):
        k, cnt = carry
        return (k < NB) & (cnt < float(MAX_DET))

    def block_body(carry):
        k, cnt = carry
        x1t = x1r_ref[pl.ds(k, 1), :]
        y1t = y1r_ref[pl.ds(k, 1), :]
        x2t = x2r_ref[pl.ds(k, 1), :]
        y2t = y2r_ref[pl.ds(k, 1), :]
        at = (x2t - x1t) * (y2t - y1t)
        srk = sr_ref[pl.ds(k, 1), :]

        def p1_body(j, supp):
            o = j * B
            x1q = ps_ref[pl.ds(o, B), 0:1]
            y1q = ps_ref[pl.ds(o, B), 1:2]
            x2q = ps_ref[pl.ds(o, B), 2:3]
            y2q = ps_ref[pl.ds(o, B), 3:4]
            aq = (x2q - x1q) * (y2q - y1q)
            iou = _iou_tile(x1q, y1q, x2q, y2q, aq, x1t, y1t, x2t, y2t, at)
            indj = (iou > IOU_T).astype(jnp.float32)
            kj = keptr_ref[pl.ds(j, 1), :]
            hits = jnp.dot(kj, indj, preferred_element_type=jnp.float32)
            return jnp.maximum(supp, (hits > 0.5).astype(jnp.float32))

        supp = jax.lax.fori_loop(0, k, p1_body, jnp.zeros((1, B), jnp.float32))

        o = k * B
        x1q = ps_ref[pl.ds(o, B), 0:1]
        y1q = ps_ref[pl.ds(o, B), 1:2]
        x2q = ps_ref[pl.ds(o, B), 2:3]
        y2q = ps_ref[pl.ds(o, B), 3:4]
        aq = (x2q - x1q) * (y2q - y1q)
        iou = _iou_tile(x1q, y1q, x2q, y2q, aq, x1t, y1t, x2t, y2t, at)
        ind_ref[:] = jnp.where((iou > IOU_T) & (sub_b < lane_b), 1.0, 0.0)

        elig = jnp.where((srk > SCORE_T) & (supp < 0.5), 1.0, 0.0)

        def jac_cond(c):
            t, kept, changed = c
            return (t < B) & (changed > 0.5)

        def jac_body(c):
            t, kept, changed = c
            hits = jnp.dot(kept, ind_ref[:], preferred_element_type=jnp.float32)
            new = jnp.where(hits > 0.5, 0.0, elig)
            return t + 1, new, jnp.sum(jnp.abs(new - kept))

        _, kept_row, _ = jax.lax.while_loop(
            jac_cond, jac_body, (jnp.int32(0), elig, jnp.float32(1.0)))

        keptr_ref[pl.ds(k, 1), :] = kept_row
        return k + 1, cnt + jnp.sum(kept_row)

    k_done, _ = jax.lax.while_loop(
        block_cond, block_body, (jnp.int32(0), jnp.float32(0.0)))

    keep = keptr_ref[:]
    upper = jnp.where(sub_b <= lane_b, 1.0, 0.0)
    inc = jnp.dot(keep, upper, preferred_element_type=jnp.float32)
    rowsum = jnp.sum(keep, axis=1, keepdims=True)
    li = jax.lax.broadcasted_iota(jnp.int32, (NB, NB), 1)
    si = jax.lax.broadcasted_iota(jnp.int32, (NB, NB), 0)
    lstrict = jnp.where(li < si, 1.0, 0.0)
    offs = jnp.dot(lstrict, rowsum, preferred_element_type=jnp.float32)
    rank_ref[:] = inc - 1.0 + offs

    r_iota = jax.lax.broadcasted_iota(jnp.int32, (OUT_PAD, 1), 0).astype(jnp.float32)

    def comp_body(k, acc):
        rank_k = rank_ref[pl.ds(k, 1), :]
        keep_k = keptr_ref[pl.ds(k, 1), :]
        onehot = jnp.where((rank_k == r_iota) & (keep_k > 0.5), 1.0, 0.0)
        return acc + jnp.dot(onehot, ps_ref[pl.ds(k * B, B), :],
                             preferred_element_type=jnp.float32)

    acc = jax.lax.fori_loop(0, k_done, comp_body,
                            jnp.zeros((OUT_PAD, 8), jnp.float32))
    out_ref[:] = acc


@functools.partial(jax.jit)
def kernel(boxes, classification):
    clsp = jnp.full((NP, 128), -1.0, jnp.float32)
    clsp = jax.lax.dynamic_update_slice(clsp, classification, (0, 0))
    bp = jnp.pad(boxes, ((0, NP - N), (0, 0)))

    p, neg = pl.pallas_call(
        _score_kernel,
        out_shape=[jax.ShapeDtypeStruct((NP, 8), jnp.float32),
                   jax.ShapeDtypeStruct((NP, 1), jnp.float32)],
    )(clsp, bp)

    order = jnp.argsort(neg.reshape(NP))
    ps = p[order]

    x1r = ps[:, 0].reshape(NB, B)
    y1r = ps[:, 1].reshape(NB, B)
    x2r = ps[:, 2].reshape(NB, B)
    y2r = ps[:, 3].reshape(NB, B)
    sr = ps[:, 4].reshape(NB, B)

    if True:
        return sr[:3, :100].reshape(MAX_DET), (x1r[:3, :100].reshape(MAX_DET)).astype(jnp.int32), ps[:MAX_DET, 0:4] + y1r[0, 0] + x2r[0, 0] + y2r[0, 0]
    out = pl.pallas_call(
        _nms_kernel,
        out_shape=jax.ShapeDtypeStruct((OUT_PAD, 8), jnp.float32),
        scratch_shapes=[
            pltpu.VMEM((NB, B), jnp.float32),
            pltpu.VMEM((B, B), jnp.float32),
            pltpu.VMEM((NB, B), jnp.float32),
        ],
    )(x1r, y1r, x2r, y2r, sr, ps)

    valid = out[:MAX_DET, 6] > 0.5
    nms_scores = out[:MAX_DET, 4]
    nms_class = jnp.where(valid, jnp.round(out[:MAX_DET, 5]).astype(jnp.int32), -1)
    nms_boxes = jnp.where(valid[:, None], out[:MAX_DET, 0:4], 0.0)
    return nms_scores, nms_class, nms_boxes

# --- scband reference (transcript-rebuilt; emitter-appended) ---
"""Pipeline reference for scband-retina-head-35107062678127 (READ-ONLY COPY).

The authoritative reference and input builder live on the scoring server;
editing this copy changes nothing except your own understanding.
"""

import jax, jax.numpy as jnp
import numpy as np

N = 5000
NUM_CLASSES = 80
MAX_DET = 300
IOU_THRESH = 0.45
SCORE_THRESH = 0.01


def setup_inputs(seed: int = 0) -> dict:
    key = jax.random.key(seed)
    k1, k2, k3 = jax.random.split(key, 3)
    xy = jax.random.uniform(k1, (N, 2), dtype=jnp.float32) * 512.0
    wh = jax.random.uniform(k2, (N, 2), dtype=jnp.float32) * 100.0 + 1.0
    boxes = jnp.concatenate([xy, xy + wh], axis=1)
    classification = jax.random.uniform(k3, (N, NUM_CLASSES), dtype=jnp.float32)
    return {"boxes": boxes, "classification": classification}


def _iou_matrix(boxes):
    x1 = boxes[:, 0]
    y1 = boxes[:, 1]
    x2 = boxes[:, 2]
    y2 = boxes[:, 3]
    area = (x2 - x1) * (y2 - y1)
    lt_x = jnp.maximum(x1[:, None], x1[None, :])
    lt_y = jnp.maximum(y1[:, None], y1[None, :])
    rb_x = jnp.minimum(x2[:, None], x2[None, :])
    rb_y = jnp.minimum(y2[:, None], y2[None, :])
    iw = jnp.maximum(rb_x - lt_x, 0.0)
    ih = jnp.maximum(rb_y - lt_y, 0.0)
    inter = iw * ih
    union = area[:, None] + area[None, :] - inter
    return inter / jnp.maximum(union, 1e-8)


def reference(boxes, classification):
    # scores = max over classes (post-sigmoid class probs), like torch.max(classification, dim=2)
    scores = jnp.max(classification, axis=1)
    cls_idx = jnp.argmax(classification, axis=1)

    # score threshold filter (scores_over_thresh), implemented via masking to keep static shapes
    masked = jnp.where(scores > SCORE_THRESH, scores, -1.0)

    # sort candidates by descending score
    order = jnp.argsort(-masked)
    b = boxes[order]
    s = masked[order]
    c = cls_idx[order]

    # greedy NMS (iou_threshold=0.45) using precomputed pairwise IoU matrix
    iou = jax.lax.stop_gradient(_iou_matrix(b))
    s_sg = jax.lax.stop_gradient(s)
    idxs = jnp.arange(N)

    def body(i, supp):
        cur = jnp.logical_not(supp[i]) & (s_sg[i] > SCORE_THRESH)
        return supp | (cur & (iou[i] > IOU_THRESH) & (idxs > i))

    supp = jax.lax.fori_loop(0, N, body, jnp.zeros((N,), dtype=bool))
    keep = jnp.logical_not(supp) & (s_sg > SCORE_THRESH)

    # gather kept detections into fixed-size [MAX_DET] output (padded)
    kept_scores = jnp.where(keep, s, -1.0)
    top_vals, top_idx = jax.lax.top_k(kept_scores, MAX_DET)
    valid = top_vals > 0.0
    nms_scores = jnp.where(valid, top_vals, 0.0)
    nms_class = jnp.where(valid, c[top_idx], -1)
    nms_boxes = jnp.where(valid[:, None], b[top_idx], 0.0)
    return nms_scores, nms_class, nms_boxes

if __name__ == "__main__":
    import jax
    _d = setup_inputs()
    print(jax.jit(kernel)(*tuple(_d.values())))

</pallas_src>

<mosaic_0001>
module attributes {stable_mosaic.version = 14 : i64} {
  func.func @_score_kernel(%arg0: memref<5120x128xf32, #tpu.memory_space<vmem>>, %arg1: memref<5120x4xf32, #tpu.memory_space<vmem>>, %arg2: memref<5120x8xf32, #tpu.memory_space<vmem>>, %arg3: memref<5120x1xf32, #tpu.memory_space<vmem>>) attributes {dimension_semantics = [], scalar_prefetch = 0 : i64, scratch_operands = 0 : i64, tpu.core_type = #tpu.core_type<tc>} {
    %get3A = arith.constant 0 : index
    %get3A_0 = arith.constant 0 : index
    %get3A_1 = vector.load %arg0[%get3A, %get3A_0] : memref<5120x128xf32, #tpu.memory_space<vmem>>, vector<5120x128xf32>
    %reduce_max3A = arith.constant dense<0xFF800000> : vector<5120xf32>
    %reduce_max3A_2 = vector.multi_reduction <maximumf>, %get3A_1, %reduce_max3A [1] : vector<5120x128xf32> to vector<5120xf32>
    %broadcast_in_dim3A = vector.shape_cast %reduce_max3A_2 : vector<5120xf32> to vector<5120x1xf32>
    %iota3A = tpu.iota {dimensions = array<i32: 1>} : vector<5120x128xi32>
    %eq3A = vector.broadcast %broadcast_in_dim3A : vector<5120x1xf32> to vector<5120x128xf32>
    %eq3A_3 = arith.cmpf oeq, %get3A_1, %eq3A : vector<5120x128xf32>
    %jit3A = arith.constant 128 : i32
    %broadcast_in_dim3A_4 = vector.broadcast %jit3A : i32 to vector<5120x128xi32>
    %select_n3A = arith.select %eq3A_3, %iota3A, %broadcast_in_dim3A_4 : vector<5120x128xi1>, vector<5120x128xi32>
    %reduce_min3A = arith.constant dense<2147483647> : vector<5120xi32>
    %reduce_min3A_5 = vector.multi_reduction <minsi>, %select_n3A, %reduce_min3A [1] : vector<5120x128xi32> to vector<5120xi32>
    %broadcast_in_dim3A_6 = vector.shape_cast %reduce_min3A_5 : vector<5120xi32> to vector<5120x1xi32>
    %gt3A = arith.constant 0.00999999977 : f32
    %gt3A_7 = vector.broadcast %gt3A : f32 to vector<5120x1xf32>
    %gt3A_8 = arith.cmpf ogt, %broadcast_in_dim3A, %gt3A_7 : vector<5120x1xf32>
    %jit3A_9 = arith.constant -1.000000e+00 : f32
    %broadcast_in_dim3A_10 = vector.broadcast %jit3A_9 : f32 to vector<5120x1xf32>
    %select_n3A_11 = arith.select %gt3A_8, %broadcast_in_dim3A, %broadcast_in_dim3A_10 : vector<5120x1xi1>, vector<5120x1xf32>
    %get3A_12 = arith.constant 0 : index
    %get3A_13 = arith.constant 0 : index
    %get3A_14 = vector.load %arg1[%get3A_12, %get3A_13] : memref<5120x4xf32, #tpu.memory_space<vmem>>, vector<5120x4xf32>
    %swap3A = arith.constant 0 : index
    %swap3A_15 = arith.constant 0 : index
    %swap3A_16 = vector.load %arg2[%swap3A, %swap3A_15] : memref<5120x8xf32, #tpu.memory_space<vmem>>, vector<5120x4xf32>
    tpu.vector_store %arg2[%swap3A, %swap3A_15], %get3A_14 {strides = array<i32>} : memref<5120x8xf32, #tpu.memory_space<vmem>>, vector<5120x4xf32>,
    %swap3A_17 = arith.constant 0 : index
    %swap3A_18 = arith.constant 4 : index
    %swap3A_19 = vector.load %arg2[%swap3A_17, %swap3A_18] : memref<5120x8xf32, #tpu.memory_space<vmem>>, vector<5120x1xf32>
    tpu.vector_store %arg2[%swap3A_17, %swap3A_18], %select_n3A_11 {strides = array<i32>} : memref<5120x8xf32, #tpu.memory_space<vmem>>, vector<5120x1xf32>,
    %convert_element_type3A = arith.sitofp %broadcast_in_dim3A_6 : vector<5120x1xi32> to vector<5120x1xf32>
    %swap3A_20 = arith.constant 0 : index
    %swap3A_21 = arith.constant 5 : index
    %swap3A_22 = vector.load %arg2[%swap3A_20, %swap3A_21] : memref<5120x8xf32, #tpu.memory_space<vmem>>, vector<5120x1xf32>
    tpu.vector_store %arg2[%swap3A_20, %swap3A_21], %convert_element_type3A {strides = array<i32>} : memref<5120x8xf32, #tpu.memory_space<vmem>>, vector<5120x1xf32>,
    %broadcast_in_dim3A_23 = arith.constant 1.000000e+00 : f32
    %broadcast_in_dim3A_24 = vector.broadcast %broadcast_in_dim3A_23 : f32 to vector<5120x1xf32>
    %swap3A_25 = arith.constant 0 : index
    %swap3A_26 = arith.constant 6 : index
    %swap3A_27 = vector.load %arg2[%swap3A_25, %swap3A_26] : memref<5120x8xf32, #tpu.memory_space<vmem>>, vector<5120x1xf32>
    tpu.vector_store %arg2[%swap3A_25, %swap3A_26], %broadcast_in_dim3A_24 {strides = array<i32>} : memref<5120x8xf32, #tpu.memory_space<vmem>>, vector<5120x1xf32>,
    %broadcast_in_dim3A_28 = arith.constant 0.000000e+00 : f32
    %broadcast_in_dim3A_29 = vector.broadcast %broadcast_in_dim3A_28 : f32 to vector<5120x1xf32>
    %swap3A_30 = arith.constant 0 : index
    %swap3A_31 = arith.constant 7 : index
    %swap3A_32 = vector.load %arg2[%swap3A_30, %swap3A_31] : memref<5120x8xf32, #tpu.memory_space<vmem>>, vector<5120x1xf32>
    tpu.vector_store %arg2[%swap3A_30, %swap3A_31], %broadcast_in_dim3A_29 {strides = array<i32>} : memref<5120x8xf32, #tpu.memory_space<vmem>>, vector<5120x1xf32>,
    %neg3A = arith.constant 0.000000e+00 : f32
    %neg3A_33 = vector.broadcast %neg3A : f32 to vector<5120x1xf32>
    %neg3A_34 = arith.subf %neg3A_33, %select_n3A_11 : vector<5120x1xf32>
    %swap3A_35 = arith.constant 0 : index
    %swap3A_36 = arith.constant 0 : index
    %swap3A_37 = vector.load %arg3[%swap3A_35, %swap3A_36] : memref<5120x1xf32, #tpu.memory_space<vmem>>, vector<5120x1xf32>
    tpu.vector_store %arg3[%swap3A_35, %swap3A_36], %neg3A_34 {strides = array<i32>} : memref<5120x1xf32, #tpu.memory_space<vmem>>, vector<5120x1xf32>,
    return
  }
}

</mosaic_0001>

<sc_bundles>
// kernel: gather_offload_async_start
scs
__scs_entry_jumppad:
0x0: {  	(pc) =	sbr.rel $0x88, $3  }
0x1: {  	(tag) =	ssettag $0x0;
	lr =	simm.s32 $0x1  }
0x2: {  	[smem:$0x3F9F] =	sst lr;
	_ =	strace $0xD0000000  }
0x3: {  	_ = 	snop  }
0x4: {  	_ = 	snop  }
0x5: {  	_ = 	snop  }
0x6: {  	_ = 	snop  }
0x7: {  	_ = 	snop  }
__scs_overlays_trampoline_lowered:
0x8: {  	[smem:$0x3FAE] =	sst s0  }
0x9: {  	[smem:$0x3FAF] =	sst s1  }
0xa: {  	[smem:$0x3FB0] =	sst s2  }
0xb: {  	[smem:$0x3FB1] =	sst s3  }
0xc: {  	[smem:$0x3FB2] =	sst s4  }
0xd: {  	[smem:$0x3FB3] =	sst s5  }
0xe: {  	[smem:$0x3FB4] =	sst s6  }
0xf: {  	[smem:$0x3FB5] =	sst s7  }
0x10: {  	[smem:$0x3FB6] =	sst s8  }
0x11: {  	[smem:$0x3FB7] =	sst s9;
	s0 =	simm.s32 @!p0 $0x0  }
0x12: {  	s1 =	sld [smem:$0x3F9D];
	s0 =	simm.s32 @p0 $0x1  }
0x13: {  	[smem:$0x3FB8] =	sst s0;
	s0 =	simm.s32 @!p1 $0x0  }
0x14: {  	s2 =	sld [smem:$0x3F9C];
	s0 =	simm.s32 @p1 $0x1  }
0x15: {  	[smem:$0x3FB9] =	sst s0;
	s0 =	simm.s32 @!p2 $0x0  }
0x16: {  	s3 =	sld [smem:$0x3FDB];
	s0 =	simm.s32 @p2 $0x1  }
0x17: {  	s4 =	simm.s32 $0x1BF5;
	[smem:$0x3FBB] =	sst s0  }
0x18: {  	s0 =	sld [smem:$0x3F9E];
	_ =	swait.ge [sflag:s4], $0x0  }
0x19: {  	s7 =	sld [smem:$0x3F9F]  }
0x1a: {  	s8 =	sadd.s32 $0xFFFFE003, lr  }
0x1b: {  	s9 =	sadd.s32 $0xFFFFFEF7, lr;
	s5 =	simm.s32 $0xFFFFFFFF;
	p2 =	slt.u32 s8, $0xFFFFF086  }
0x1c: {  	p1 =	slt.u32 s9, $0xF7A;
	s5 =	simm.s32 @!p2 $0x0  }
0x1d: {  	s5 =	simm.s32 @p1 $0x1;
	p0 =	seq.s32 s7, s2  }
0x1e: {  	s7 =	smul.u32 @!p0 $0xF7A, s2;
	p2 =	seq.s32 @!p0 s5, $0x0  }
0x1f: {  	s9 =	smul.u32 $0xF7A, s1;
	s8 =	simm.s32 @!p0 $0x1BF5;
	p2 =	por !p2, p0  }
0x20: {  	[sflag:s8] =	ssyncset.s32 @!p0 $0xFFFFF086;
	s6 =	sadd.s32 @!p0 s3, s7;
	s7 =	simm.s32 @!p0 $0x108  }
0x21: {  	s3 =	sadd.s32 s3, s9;
	s6 =	sadd.s32 @!p0 $0x88, s6;
	s7 =	simm.s32 @p2 $0x1082  }
0x22: {  	[simem:s7], [sflag:s8] =	dma.local @!p0 [hbm:s6], $0xF7A  }
0x23: {  	s9 =	sor.u32 $0xD0000000, s2;
	s6 =	simm.s32 $0x108;
	_ =	swait.ge @!p0 [sflag:s8], $0x0  }
0x24: {  	s3 =	sadd.s32 $0x88, s3;
	s6 =	simm.s32 @!p1 $0x1082;
	[sflag:s4] =	ssyncset.s32 $0xFFFFF086  }
0x25: {  	[simem:s6], [sflag:s4] =	dma.local [hbm:s3], $0xF7A  }
0x26: {  	[smem:$0x3F9F] =	sst s1;
	(tag) =	ssettag s2;
	_ =	strace s9  }
0x27: {  	s1 =	sld [smem:$0x3FAF]  }
0x28: {  	s2 =	sld [smem:$0x3FB0]  }
0x29: {  	s4 =	sld [smem:$0x3FB2]  }
0x2a: {  	p0 =	seq.s32 s5, $0x0;
	s5 =	sld [smem:$0x3FB3]  }
0x2b: {  	s6 =	sld [smem:$0x3FB4]  }
0x2c: {  	s7 =	sld [smem:$0x3FB5]  }
0x2d: {  	s3 =	simm.s32 $0x108;
	s8 =	sld [smem:$0x3FB6]  }
0x2e: {  	s3 =	simm.s32 @!p0 $0x1082;
	s9 =	sld [smem:$0x3FB7]  }
0x2f: {  	lr =	sadd.s32 s0, s3;
	s0 =	sld [smem:$0x3FAE]  }
0x30: {  	s3 =	sld [smem:$0x3FB1]  }
0x31: {  	[smem:$0x3FBA] =	sst s10  }
0x32: {  	s10 =	sld [smem:$0x3FB8];
	_ =	sdelay $0x3  }
0x33: {  	p0 =	seq.s32 s10, $0x1;
	s10 =	sld [smem:$0x3FBA];
	_ =	sdelay $0x3  }
0x34: {  	[smem:$0x3FBA] =	sst s10  }
0x35: {  	s10 =	sld [smem:$0x3FB9];
	_ =	sdelay $0x3  }
0x36: {  	p1 =	seq.s32 s10, $0x1;
	s10 =	sld [smem:$0x3FBA];
	_ =	sdelay $0x3  }
0x37: {  	[smem:$0x3FBA] =	sst s10  }
0x38: {  	s10 =	sld [smem:$0x3FBB]  }
0x39: {  	_ = 	snop;
	(pc) =	sbr.ind lr, $3  }
0x3a: {  	_ = 	snop  }
0x3b: {  	_ = 	snop  }
0x3c: {  	p2 =	seq.s32 s10, $0x1;
	s10 =	sld [smem:$0x3FBA]  }
0x3d: {  	_ =	shalt  }
0x3e: {  	_ =	shalt  }
0x3f: {  	_ =	shalt  }
0x40: {  	_ =	shalt  }
0x41: {  	_ =	shalt  }
0x42: {  	_ =	shalt  }
0x43: {  	_ =	shalt  }
0x44: {  	_ =	shalt  }
0x45: {  	_ =	shalt  }
0x46: {  	_ =	shalt  }
0x47: {  	_ =	shalt  }
0x48: {  	_ =	shalt  }
0x49: {  	_ =	shalt  }
0x4a: {  	_ =	shalt  }
0x4b: {  	_ =	shalt  }
0x4c: {  	_ =	shalt  }
0x4d: {  	_ =	shalt  }
0x4e: {  	_ =	shalt  }
0x4f: {  	_ =	shalt  }
0x50: {  	_ =	shalt  }
0x51: {  	_ =	shalt  }
0x52: {  	_ =	shalt  }
0x53: {  	_ =	shalt  }
0x54: {  	_ =	shalt  }
0x55: {  	_ =	shalt  }
0x56: {  	_ =	shalt  }
0x57: {  	_ =	shalt  }
0x58: {  	_ =	shalt  }
0x59: {  	_ =	shalt  }
0x5a: {  	_ =	shalt  }
0x5b: {  	_ =	shalt  }
0x5c: {  	_ =	shalt  }
0x5d: {  	_ =	shalt  }
0x5e: {  	_ =	shalt  }
0x5f: {  	_ =	shalt  }
0x60: {  	_ =	shalt  }
0x61: {  	_ =	shalt  }
0x62: {  	_ =	shalt  }
0x63: {  	_ =	shalt  }
0x64: {  	_ =	shalt  }
0x65: {  	_ =	shalt  }
0x66: {  	_ =	shalt  }
0x67: {  	_ =	shalt  }
0x68: {  	_ =	shalt  }
0x69: {  	_ =	shalt  }
0x6a: {  	_ =	shalt  }
0x6b: {  	_ =	shalt  }
0x6c: {  	_ =	shalt  }
0x6d: {  	_ =	shalt  }
0x6e: {  	_ =	shalt  }
0x6f: {  	_ =	shalt  }
0x70: {  	_ =	shalt  }
0x71: {  	_ =	shalt  }
0x72: {  	_ =	shalt  }
0x73: {  	_ =	shalt  }
0x74: {  	_ =	shalt  }
0x75: {  	_ =	shalt  }
0x76: {  	_ =	shalt  }
0x77: {  	_ =	shalt  }
0x78: {  	_ =	shalt  }
0x79: {  	_ =	shalt  }
0x7a: {  	_ =	shalt  }
0x7b: {  	_ =	shalt  }
0x7c: {  	_ =	shalt  }
0x7d: {  	_ =	shalt  }
0x7e: {  	_ =	shalt  }
0x7f: {  	_ =	shalt  }
0x80: {  	_ =	shalt  }
0x81: {  	_ =	shalt  }
0x82: {  	_ =	shalt  }
0x83: {  	_ =	shalt  }
0x84: {  	_ =	shalt  }
0x85: {  	_ =	shalt  }
0x86: {  	_ =	shalt  }
0x87: {  	_ =	shalt  }
.Lfunc_end0:
.L_simem_size_0:
called_computation_lowered:
.L_overlay_start_0:
0x88: {  	s2 =	sld [smem:$0x3FD9]  }
0x89: {  	s3 =	sld [smem:$0x3FFE];
	_ =	sdelay $0x1  }
0x8a: {  	s1 =	srdreg.scid  }
0x8b: {  	s0 =	sand.u32 $0x1, s1  }
0x8c: {  	s16 =	sshll.u32 s0, $0xA;
	s2 =	sadd.s32 s3, s2  }
0x8d: {  	s2 =	sadd.s32 s2, s16  }
0x8e: {  	[smem:$0x3FC6] =	sst s2  }
0x8f: {  	_ = 	snop  }
0x90: {  	(tm) =	ssettm $0x1  }
0x91: {  	s17 =	sld [smem:$0x3FFB];
	_ =	sdelay $0x3  }
0x92: {  	_ =	strace s17  }
0x93: {  	s2 =	sld [smem:$0x3FFC];
	_ =	sdelay $0x3  }
0x94: {  	_ =	strace s2  }
0x95: {  	s2 =	sld [smem:$0x3FFD];
	_ =	sdelay $0x3  }
0x96: {  	_ =	strace s2  }
0x97: {  	_ =	strace $0x8FFFFFFF  }
0x98: {  	s18 =	sld [smem:$0x3FDB];
	_ =	sdelay $0x1  }
0x99: {  	s19 =	simm.s32 $_scs_section_size  }
0x9a: {  	s4 =	simm.s32 $_size__tile_overlayer_lowered;
	s5 =	simm.s32 $_tile_overlayer_lowered  }
0x9b: {  	s22 =	simm.s32 $0x1BFF;
	s21 =	sshll.u32 s5, $0x1;
	s2 =	sadd.s32 s19, s18  }
0x9c: {  	s6 =	simm.s32 $0x0;
	s20 =	sshll.u32 s4, $0x1;
	s4 =	sadd.s32 s21, s2  }
0x9d: {  	[timem:s6], [sflag:s22] =	dma.local [hbm:s4], s20  }
0x9e: {  	_ =	swait.ge [sflag:s22], s20  }
0x9f: {  	s3 =	ssub.s32 $0x0, s20;
	[sflag:s22] =	ssyncset.done $0x0  }
0xa0: {  	[sflag:s22] =	ssyncadd.s32 s3;
	_ =	sdelay $0x1  }
0xa1: {  	s23 =	simm.s32 $0x1B8B  }
0xa2: {  	_ =	swait.ge [sflag:s23], $0x1  }
0xa3: {  	[sflag:s23] =	ssyncset.done $0x0  }
0xa4: {  	s25 =	simm.s32 $0x1B8E;
	s24 =	sld [smem:$0x3FFE];
	[sflag:s23] =	ssyncadd.s32 $0xFFFFFFFF  }
0xa5: {  	s26 =	simm.s32 $execute0_lowered;
	[smem:$0x3FD2] =	sst s25  }
0xa6: {  	s4 =	sshll.u32 s26, $0x1;
	_ =	strace $0x80000046;
	[dreg:$0x1] =	wrdreg $0xFFFFFFFF  }
0xa7: {  	s28 =	simm.s32 $_size_execute0_lowered;
	s2 =	sadd.s32 s2, s4;
	[dreg:$0x0] =	wrdreg $0x0  }
0xa8: {  	s4 =	sshll.u32 s28, $0x1;
	[dreg:$0x2] =	wrdreg s2  }
0xa9: {  	[dreg:$0x3] =	wrdreg s4  }
0xaa: {  	[dreg:$0x4] =	wrdreg $0xC0  }
0xab: {  	_ =	task [dreg:s6], $0x5FFFF  }
0xac: {  	[dreg:$0x1] =	wrdreg $0xFFFFFFFF  }
0xad: {  	[dreg:$0x0] =	wrdreg $0x60  }
0xae: {  	[dreg:$0x2] =	wrdreg s24  }
0xaf: {  	[dreg:$0x3] =	wrdreg $0x9  }
0xb0: {  	_ =	task.clear_ibuf [dreg:s6], $0x4FFFF;
	_ =	strace $0x90000046  }
0xb1: {  	s29 =	simm.s32 $0x9;
	_ =	strace $0x80000048  }
0xb2: {  	_ =	swait.ge [sflag:s29], $0x1  }
0xb3: {  	[sflag:s29] =	ssyncadd.s32 $0xFFFFFFFF  }
0xb4: {  	_ =	strace $0x90000048  }
0xb5: {  	_ =	sfence  }
0xb6: {  	s30 =	sld [smem:$0x0];
	_ =	sdelay $0x2  }
0xb7: {  	s31 =	sshll.u32 s1, $0xD;
	s1 =	sshrl.u32 s1, $0x2  }
0xb8: {  	s3 =	sand.u32 $0x4000, s31;
	s1 =	sadd.s32 s1, s30  }
0xb9: {  	s0 =	sor.u32 s3, s0;
	s1 =	sshll.u32 s1, $0x11  }
0xba: {  	s0 =	sor.u32 s1, s0  }
0xbb: {  	s0 =	sadd.s32 $0x8F2B, s0  }
0xbc: {  	[sflag:s0] =	ssyncadd.remote.s32 $0x1  }
0xbd: {  	_ =	sfence.sel $0xFFFF  }
0xbe: {  	[dreg:$0x0] =	wrdreg $0xFFFFFFFF;
	(pc) =	sbr.abs _section_cstart, $3  }
0xbf: {  	[dreg:$0x1] =	wrdreg $0xFFFFFFFF  }
0xc0: {  	_ =	task.clear_ibuf [dreg:s6], $0x2FFFF;
	_ =	strace $0x9FFFFFFF  }
0xc1: {  	(tm) =	ssettm $0x7FFFFFFF  }
tec
execute0_lowered:
.L_overlay_start_1:
0x0: {  	(tag) =	ssettag $0x1  }
0x1: {  	s0 =	srdreg.scid  }
0x2: {  	s1 =	sshll.u32 s0, $0x4  }
0x3: {  	s0 =	stileid.u32;
	s1 =	sand.u32 $0x10, s1  }
0x4: {  	s1 =	sor.u32 s0, s1  }
0x5: {  	s3 =	rddreg [dreg:$0x0];
	s2 =	smin.u32 s1, $0x8  }
0x6: {  	p0 =	slt.u32 s1, $0x8;
	s2 =	sadd.s32 s1, s2;
	s1 =	simm.s32 $0x100  }
0x7: {  	s6 =	simm.s32 $0x1;
	s2 =	sshll.u32 s2, $0x7;
	s1 =	simm.s32 @!p0 $0x80  }
0x8: {  	s7 =	simm.s32 $0x2;
	s10 =	simm.s32 $0x3;
	s4 =	sadd.s32 s1, s2  }
0x9: {  	s13 =	simm.s32 $0x0;
	s12 =	simm.s32 $0x0;
	s4 =	smin.u32 s4, $0x1400  }
.Ltmp0:
0xa: {  	s5 =	sadd.s32 $0x14000, s3;
	s8 =	ssub.s32 s4, s2;
	(pc) =	sbr.rel .LBB2_1-.Ltmp0, $4  }
0xb: {  	s1 =	rddreg [dreg:$0x1];
	_ =	strace $0x80000047;
	p0 =	sgt.s32 s8, $0x0  }
0xc: {  	s9 =	sadd.s32 $0x14400, s3;
	[sflag:s6] =	ssyncpa.u1 $0x0;
	s8 =	simm.s32 @!p0 $0x0  }
0xd: {  	s11 =	smov.u32 s2;
	[sflag:s7] =	ssyncpa.u1 $0x0;
	s8 =	sshrl.u32 s8, $0x7  }
0xe: {  	vm0 =	vmmov $0xff;
	vm1 =	vcmask $0x3F20;
	[sflag:s10] =	ssyncpa.u1 $0x0;
	p0 =	por $0x0, $0x0;
	s10 =	sadd.s32 $0x1, s8  }
.LBB2_6:
0xf: {  	[hbm:s17] =	stream.linear.scatter [tilespmem:s14], [sflag:$0x3], $0x400, $0x38;
	[tilespmem:$0x8100] =	vst v63  }
.LBB2_7:
0x10: {  	s13 =	sadd.s32 $0x80, s11  }
0x11: {  	s15 =	smov.u32 s2;
	p2 =	slt.s32 s13, s4  }
0x12: {  	s15 =	smov.u32 @p2 s13;
	p2 =	sne.s32 s12, s10  }
.Ltmp1:
0x13: {  	p1 =	slt.u32 s12, $0x2;
	(pc) =	sbr.rel @!p2 .LBB2_8-.Ltmp1, $4  }
0x14: {  	s14 =	simm.s32 @!p1 $0x3  }
0x15: {  	s16 =	sadd.s32 $0x1, s12;
	_ =	swait.ge @!p1 [sflag:s14], $0x4000  }
0x16: {  	p0 =	por !p0, !p0;
	s13 =	smov.u32 s11;
	[sflag:s14] =	ssyncset.done @!p1 $0x0  }
0x17: {  	s12 =	smov.u32 s16;
	s11 =	smov.u32 s15;
	[sflag:s14] =	ssyncadd.s32 @!p1 $0xFFFFC000  }
.LBB2_1:
0x18: {  	p1 =	sge.u32 s12, s8  }
0x19: {  	s14 =	sxor.u32 @!p1 $0xFFFFFFFF, s12  }
0x1a: {  	s31 =	sadd.s32 $0xFFFFFFFF, s12;
	s15 =	sshrl.u32 @!p1 s11, $0x3;
	s14 =	sshll.u32 @!p1 s14, $0x7  }
0x1b: {  	s16 =	sand.u32 @!p1 $0x7, s11;
	s15 =	sadd.s32 @!p1 s5, s15;
	s14 =	sand.u32 @!p1 $0x80, s14  }
0x1c: {  	[tilespmem:s14], [sflag:$0x2] =	stream.linear.gather @!p1 [hbm4b:s15+s16], $0x80, $0x38;
	[tilespmem:$0x8100] =	vst v63  }
0x1d: {  	p1 =	sge.u32 s31, s8  }
.Ltmp2:
0x1e: {  	_ = 	snop;
	(pc) =	sbr.rel @p1 .LBB2_7-.Ltmp2, $1  }
0x1f: {  	_ =	sdelay $0x3  }
0x20: {  	s14 =	simm.s32 $0x1  }
0x21: {  	_ =	swait.ge [sflag:s7], $0x80;
	s14 =	simm.s32 @!p0 $0x0  }
0x22: {  	[sflag:s7] =	ssyncset.done $0x0;
	s16 =	sshll.u32 s14, $0x7  }
0x23: {  	[sflag:s7] =	ssyncadd.s32 $0xFFFFFF80;
	s15 =	sadd.s32 $0x0, s16  }
0x24: {  	v0 =	vld.msk [tilespmem:s15+$0x0 ss:$0x1], $0xffff;
	_ =	sdelay $0x4  }
0x25: {  	vm2 =	vgt.s32 v0, $0x0  }
0x26: {  	v0 =	vnsel vm2, $0x0, v0  }
0x27: {  	v0 =	vmin.u32 v0, $0x13FF  }
0x28: {  	v0 =	vshll.u32 v0, $0x4;
	_ =	sdelay $0x2  }
0x29: {  	s14 =	sshll.u32 s14, $0xE  }
0x2a: {  	s14 =	sor.u32 $0x100, s14  }
0x2b: {  	[tilespmem:s14], [sflag:$0x1] =	stream.indirect_vreg.gather [hbm:s3], $0x80, v0, vm0, $0x38;
	[tilespmem:$0x8100] =	vst v63  }
0x2c: {  	s17 =	sadd.s32 $0x10, s16;
	s15 =	sadd.s32 $0x400, s14  }
0x2d: {  	[tilespmem:s15], [sflag:$0x1] =	stream.indirect_vreg.gather [hbm:s3], $0x80, v0, vm1, $0x38;
	[tilespmem:$0x8100] =	vst v63  }
0x2e: {  	s18 =	simm.s32 $0x80;
	v0 =	vld.msk [tilespmem:s17+$0x0 ss:$0x1], $0xffff;
	s17 =	smov.u32 s14  }
.LBB2_3:
0x2f: {  	p1 =	sne.s32 s18, $0x1C0;
	_ =	sdelay $0x4  }
0x30: {  	vm2 =	vgt.s32 v0, $0x0  }
0x31: {  	v0 =	vnsel vm2, $0x0, v0  }
0x32: {  	v0 =	vmin.u32 v0, $0x13FF  }
0x33: {  	v0 =	vshll.u32 v0, $0x4;
	_ =	sdelay $0x3  }
.Ltmp3:
0x34: {  	s19 =	sshra.s32 s18, $0x2;
	s17 =	sadd.s32 $0x800, s17;
	(pc) =	sbr.rel @p1 .LBB2_3-.Ltmp3, $4  }
0x35: {  	[tilespmem:s17], [sflag:$0x1] =	stream.indirect_vreg.gather [hbm:s3], $0x80, v0, vm0, $0x38;
	[tilespmem:$0x8100] =	vst v63  }
0x36: {  	s19 =	sadd.s32 s19, s16;
	s20 =	sadd.s32 $0x400, s17  }
0x37: {  	[tilespmem:s20], [sflag:$0x1] =	stream.indirect_vreg.gather [hbm:s3], $0x80, v0, vm1, $0x38;
	[tilespmem:$0x8100] =	vst v63  }
0x38: {  	s18 =	sadd.s32 $0x40, s18;
	v0 =	vld.msk [tilespmem:s19+$0x0 ss:$0x1], $0xffff  }
0x39: {  	_ =	sdelay $0x3  }
0x3a: {  	vm2 =	vgt.s32 v0, $0x0  }
0x3b: {  	v0 =	vnsel vm2, $0x0, v0  }
0x3c: {  	v0 =	vmin.u32 v0, $0x13FF  }
0x3d: {  	v0 =	vshll.u32 v0, $0x4;
	_ =	sdelay $0x3  }
0x3e: {  	s16 =	sadd.s32 $0x800, s17  }
0x3f: {  	[tilespmem:s16], [sflag:$0x1] =	stream.indirect_vreg.gather [hbm:s3], $0x80, v0, vm0, $0x38;
	[tilespmem:$0x8100] =	vst v63  }
0x40: {  	s16 =	sadd.s32 $0x400, s16  }
0x41: {  	[tilespmem:s16], [sflag:$0x1] =	stream.indirect_vreg.gather [hbm:s3], $0x80, v0, vm1, $0x38;
	[tilespmem:$0x8100] =	vst v63  }
0x42: {  	s13 =	sshll.u32 s13, $0x4;
	_ =	swait.ge [sflag:s6], $0x4000  }
0x43: {  	s13 =	sadd.s32 s13, s9;
	[sflag:s6] =	ssyncset.done $0x0  }
0x44: {  	s17 =	sadd.s32 $0x0, s13;
	s16 =	simm.s32 $0x80;
	[sflag:s6] =	ssyncadd.s32 $0xFFFFC000  }
.LBB2_5:
0x45: {  	[hbm:s17] =	stream.linear.scatter [tilespmem:s14], [sflag:$0x3], $0x400, $0x38;
	[tilespmem:$0x8100] =	vst v63  }
0x46: {  	s17 =	smov.u32 s16;
	s14 =	smov.u32 s15;
	p1 =	sne.s32 s16, $0x780  }
.Ltmp4:
0x47: {  	s16 =	sadd.s32 $0x80, s16;
	(pc) =	sbr.rel @p1 .LBB2_5-.Ltmp4, $2  }
0x48: {  	_ =	sdelay $0x2  }
0x49: {  	s15 =	sadd.s32 $0x400, s15;
	s17 =	sadd.s32 s17, s13  }
.Ltmp5:
0x4a: {  	_ = 	snop;
	(pc) =	sbr.rel .LBB2_6-.Ltmp5, $1  }
0x4b: {  	_ =	sdelay $0x3  }
.LBB2_8:
0x4c: {  	_ =	sfence.sel $0x180000  }
0x4d: {  	s2 =	simm.s32 $0x2;
	[bflag:$0x0] =	sbarrier.arrive $0xFFFF  }
0x4e: {  	s30 =	simm.s32 $0x3;
	[sflag:s2] =	ssyncpa.u1 $0x1  }
0x4f: {  	s31 =	simm.s32 $0x1;
	[sflag:s30] =	ssyncpa.u1 $0x1  }
0x50: {  	[sflag:s31] =	ssyncpa.u1 $0x1  }
0x51: {  	p0 =	sne.s32 s0, $0x0;
	_ =	strace $0x90000047  }
0x52: {  	s0 =	sadd.s32 @!p0 $0x100000, s1;
	[bflag:$0x2] =	sbarrier.arrive $0xFFFF  }
0x53: {  	[sflag:s0] =	ssyncadd.tile.s32 @!p0 $0x1;
	_ =	shalt  }
.Lfunc_end2:
_tile_overlayer_lowered:
.L_overlay_start_2:
0x54: {  	(tag) =	ssettag $0x2  }
0x55: {  	s0 =	rddreg [dreg:$0x0];
	s2 =	stileid.u32  }
0x56: {  	s1 =	rddreg [dreg:$0x1];
	p0 =	sne.s32 s2, $0x0  }
0x57: {  	s3 =	rddreg [dreg:$0x2];
	[bflag:$0x3] =	sbarrier.arrive $0xFFFF;
	s2 =	simm.s32 @!p0 $0x1C01  }
0x58: {  	[timem:s3], [sflag:s2] =	dma.local @!p0 [hbm:s0], s1  }
0x59: {  	s0 =	simm.s32 @!p0 $0x1  }
0x5a: {  	_ =	swait.ge @!p0 [sflag:s0], s1  }
0x5b: {  	s1 =	ssub.s32 @!p0 $0x0, s1;
	[sflag:s0] =	ssyncset.done @!p0 $0x0  }
0x5c: {  	[sflag:s0] =	ssyncadd.s32 @!p0 s1  }
0x5d: {  	[bflag:$0x3] =	sbarrier.arrive $0xFFFF  }
0x5e: {  	_ =	shalt  }

</sc_bundles>
